<compile_context>
chip_gen: v7x
topology: tpu7x:2x2x1
jax: 0.10.2.dev20260603
libtpu: 0.0.44.dev20260713+nightly
codegen_flags: <defaults>
</compile_context>

<pallas_src>
import functools

import jax
import jax.numpy as jnp
from jax import lax
from jax.experimental import pallas as pl
from jax.experimental.pallas import tpu as pltpu
from jax.experimental.pallas import tpu_sc as plsc

_EDGE_SP = 512
_FEAT_SP = 256
_NW = 32
_K = _EDGE_SP + _FEAT_SP
_PPW = _K // _NW
_CH = 192
_CHUNKS = _PPW * _CH // 128


def _sc_gather_body(sar_hbm, rgb_hbm, idx_hbm, sar_out, rgb_out,
                    idx_v, bs_v, br_v, sem_s, sem_r):
    cid = lax.axis_index("c")
    sid = lax.axis_index("s")
    wid = sid * 2 + cid
    pltpu.sync_copy(idx_hbm.at[wid], idx_v)

    def fire(j, carry):
        pltpu.async_copy(sar_hbm.at[idx_v.at[j]], bs_v.at[j], sem_s)
        pltpu.async_copy(rgb_hbm.at[idx_v.at[j]], br_v.at[j], sem_r)
        return carry

    lax.fori_loop(0, _CHUNKS, fire, 0)
    pltpu.make_async_copy(sar_out.at[wid], bs_v, sem_s).wait()
    pltpu.make_async_copy(rgb_out.at[wid], br_v, sem_r).wait()
    pltpu.sync_copy(bs_v, sar_out.at[wid])
    pltpu.sync_copy(br_v, rgb_out.at[wid])


def _vmask_kernel(sar_ref, out_ref):
    out_ref[...] = jnp.sum(sar_ref[...], axis=1)


def _cos_kernel(sa_ref, st_ref, ra_ref, rt_ref, rgb_out, sar_out):
    def cs(a, t):
        num = jax.lax.dot_general(
            a, t, (((1,), (1,)), ((), ())),
            precision=jax.lax.Precision.HIGHEST,
            preferred_element_type=jnp.float32,
        )
        na = jnp.sqrt(jnp.sum(a * a, axis=1, keepdims=True))
        nt = jnp.sqrt(jnp.sum(t * t, axis=1, keepdims=True))
        den = na * nt.T
        return num / jnp.maximum(den, 1e-8)

    rgb_out[...] = cs(ra_ref[...], rt_ref[...])
    sar_out[...] = cs(sa_ref[...], st_ref[...])


def _resize_bilinear(x, out_h, out_w):
    N, C, H, W = x.shape
    ys = jnp.linspace(0.0, H - 1, out_h)
    xs = jnp.linspace(0.0, W - 1, out_w)
    y0 = jnp.floor(ys).astype(jnp.int32)
    y1 = jnp.minimum(y0 + 1, H - 1)
    wy = ys - y0.astype(jnp.float32)
    x0 = jnp.floor(xs).astype(jnp.int32)
    x1 = jnp.minimum(x0 + 1, W - 1)
    wx = xs - x0.astype(jnp.float32)
    rows0 = x[:, :, y0, :]
    rows1 = x[:, :, y1, :]
    top = rows0[:, :, :, x0] * (1.0 - wx)[None, None, None, :] + rows0[:, :, :, x1] * wx[None, None, None, :]
    bot = rows1[:, :, :, x0] * (1.0 - wx)[None, None, None, :] + rows1[:, :, :, x1] * wx[None, None, None, :]
    return top * (1.0 - wy)[None, None, :, None] + bot * wy[None, None, :, None]


def _gumbel_topk(key, weights, k):
    g = jax.random.gumbel(key, weights.shape, dtype=jnp.float32)
    logits = jnp.where(weights > 0, jnp.log(jnp.maximum(weights, 1e-30)), -jnp.inf) + g
    nch = logits.shape[0] // 2048
    lv, li = jax.lax.top_k(logits.reshape(nch, 2048), k)
    gi = (li + (jnp.arange(nch, dtype=li.dtype) * 2048)[:, None]).reshape(-1)
    _, p2 = jax.lax.top_k(lv.reshape(-1), k)
    return gi[p2]


def kernel(RGB_feat, SAR_feat, edge_mask):
    N, C, H, W = SAR_feat.shape
    P = N * H * W

    vm = pl.pallas_call(
        _vmask_kernel,
        grid=(N, H // 8),
        in_specs=[pl.BlockSpec((1, C, 8, W), lambda n, h: (n, 0, h, 0))],
        out_specs=pl.BlockSpec((1, 8, W), lambda n, h: (n, h, 0)),
        out_shape=jax.ShapeDtypeStruct((N, H, W), jnp.float32),
    )(SAR_feat)
    valid_mask = (vm.reshape(-1) != 0).astype(jnp.float32)
    feat_weight = valid_mask

    skey = jax.random.key(42)
    kf, ke = jax.random.split(skey)
    feat_index = _gumbel_topk(kf, feat_weight, _FEAT_SP)

    em = _resize_bilinear(edge_mask, H, W)
    em = (em > 0.5).astype(jnp.float32)
    em_flat = jnp.transpose(em, (0, 2, 3, 1)).reshape(-1) * valid_mask
    edge_weight = feat_weight * em_flat
    edge_index = _gumbel_topk(ke, edge_weight, _EDGE_SP)

    all_idx = jnp.concatenate([edge_index, feat_index])
    n_i = all_idx // (H * W)
    hw_i = all_idx % (H * W)
    word_base = n_i * (C * H * W) + hw_i
    widx = word_base[:, None] + (jnp.arange(C, dtype=jnp.int32) * (H * W))[None, :]
    widx = widx.reshape(_NW, _CHUNKS, 128)

    sc_gather = functools.partial(
        pl.kernel,
        out_type=(
            jax.ShapeDtypeStruct((_NW, _CHUNKS, 128), jnp.float32),
            jax.ShapeDtypeStruct((_NW, _CHUNKS, 128), jnp.float32),
        ),
        mesh=plsc.VectorSubcoreMesh(core_axis_name="c", subcore_axis_name="s"),
        scratch_types=[
            pltpu.VMEM((_CHUNKS, 128), jnp.int32),
            pltpu.VMEM((_CHUNKS, 128), jnp.float32),
            pltpu.VMEM((_CHUNKS, 128), jnp.float32),
            pltpu.SemaphoreType.DMA,
            pltpu.SemaphoreType.DMA,
        ],
    )(_sc_gather_body)
    sar_rows, rgb_rows = sc_gather(SAR_feat.reshape(-1), RGB_feat.reshape(-1), widx)
    sar_rows = sar_rows.reshape(_K, C)
    rgb_rows = rgb_rows.reshape(_K, C)
    SAR_anch, SAR_tar = sar_rows[:_EDGE_SP], sar_rows[_EDGE_SP:]
    RGB_anch, RGB_tar = rgb_rows[:_EDGE_SP], rgb_rows[_EDGE_SP:]

    RGB_mat, SAR_mat = pl.pallas_call(
        _cos_kernel,
        out_shape=(
            jax.ShapeDtypeStruct((_EDGE_SP, _FEAT_SP), jnp.float32),
            jax.ShapeDtypeStruct((_EDGE_SP, _FEAT_SP), jnp.float32),
        ),
    )(SAR_anch, SAR_tar, RGB_anch, RGB_tar)
    return (RGB_mat, SAR_mat)

# --- scband reference (transcript-rebuilt; emitter-appended) ---
"""Pipeline reference for scband-sim-mat-55379308314798 (READ-ONLY COPY).

The authoritative reference and input builder live on the scoring server;
editing this copy changes nothing except your own understanding.
"""

import jax, jax.numpy as jnp
import numpy as np


def _bilinear_align_corners(x, out_h, out_w):
    N, C, H, W = x.shape
    ys = jnp.linspace(0.0, H - 1, out_h)
    xs = jnp.linspace(0.0, W - 1, out_w)
    y0 = jnp.floor(ys).astype(jnp.int32)
    y1 = jnp.minimum(y0 + 1, H - 1)
    wy = ys - y0.astype(jnp.float32)
    x0 = jnp.floor(xs).astype(jnp.int32)
    x1 = jnp.minimum(x0 + 1, W - 1)
    wx = xs - x0.astype(jnp.float32)
    rows0 = x[:, :, y0, :]
    rows1 = x[:, :, y1, :]
    top = rows0[:, :, :, x0] * (1.0 - wx)[None, None, None, :] + rows0[:, :, :, x1] * wx[None, None, None, :]
    bot = rows1[:, :, :, x0] * (1.0 - wx)[None, None, None, :] + rows1[:, :, :, x1] * wx[None, None, None, :]
    return top * (1.0 - wy)[None, None, :, None] + bot * wy[None, None, :, None]


def _sample_wo_replacement(key, weights, k):
    # torch.multinomial(weights, k, replacement=False) equivalent via Gumbel top-k
    g = jax.random.gumbel(key, weights.shape, dtype=jnp.float32)
    logits = jnp.where(weights > 0, jnp.log(jnp.maximum(weights, 1e-30)), -jnp.inf) + g
    _, idx = jax.lax.top_k(logits, k)
    return idx


def _cos_sim(anch, tar):
    num = anch @ tar.T
    den = jnp.linalg.norm(anch, axis=-1, keepdims=True) * jnp.linalg.norm(tar, axis=-1, keepdims=True).T
    return num / jnp.maximum(den, 1e-8)


def setup_inputs(seed: int = 0):
    key = jax.random.key(seed)
    k1, k2, k3 = jax.random.split(key, 3)
    RGB_feat = jax.random.normal(k1, (4, 192, 128, 128), dtype=jnp.float32)
    SAR_feat = jax.random.normal(k2, (4, 192, 128, 128), dtype=jnp.float32)
    edge_mask = jax.random.uniform(k3, (4, 1, 512, 512), dtype=jnp.float32)
    return {"RGB_feat": RGB_feat, "SAR_feat": SAR_feat, "edge_mask": edge_mask}


def reference(RGB_feat, SAR_feat, edge_mask):
    edge_sp = 512
    feat_sp = 256
    N, C, H, W = SAR_feat.shape
    SAR_flat = jnp.transpose(SAR_feat, (0, 2, 3, 1)).reshape(-1, C)
    RGB_flat = jnp.transpose(RGB_feat, (0, 2, 3, 1)).reshape(-1, C)
    valid_mask = (jnp.sum(jax.lax.stop_gradient(SAR_flat), axis=1) != 0).astype(jnp.float32)
    feat_weight = jnp.ones((SAR_flat.shape[0],), dtype=jnp.float32) * valid_mask
    skey = jax.random.key(42)
    kf, ke = jax.random.split(skey)
    feat_index = _sample_wo_replacement(kf, feat_weight, feat_sp)
    em = _bilinear_align_corners(edge_mask, H, W)
    em = (em > 0.5).astype(jnp.float32)
    em_flat = jnp.transpose(em, (0, 2, 3, 1)).reshape(-1) * valid_mask
    # For uniform-random edge_mask, em_flat.sum() (~B*H*W/2) >> edge_sp, so the
    # original module deterministically takes the first branch.
    edge_weight = feat_weight * em_flat
    edge_index = _sample_wo_replacement(ke, edge_weight, edge_sp)
    SAR_anch = SAR_flat[edge_index]
    RGB_anch = RGB_flat[edge_index]
    SAR_tar = SAR_flat[feat_index]
    RGB_tar = RGB_flat[feat_index]
    SAR_mat = _cos_sim(SAR_anch, SAR_tar)
    RGB_mat = _cos_sim(RGB_anch, RGB_tar)
    return (RGB_mat, SAR_mat)

if __name__ == "__main__":
    import jax
    _d = setup_inputs()
    print(jax.jit(kernel)(*tuple(_d.values())))

</pallas_src>

<mosaic_0001>
#map = affine_map<(d0, d1) -> (0)>
#map1 = affine_map<(d0, d1) -> (0, 0, 0)>
module attributes {stable_mosaic.version = 14 : i64} {
  func.func @_sc_gather_body(%arg0: i32, %arg1: i32, %arg2: memref<12582912xf32, #tpu.memory_space<hbm>>, %arg3: memref<12582912xf32, #tpu.memory_space<hbm>>, %arg4: memref<32x36x128xi32, #tpu.memory_space<hbm>>, %arg5: memref<32x36x128xf32, #tpu.memory_space<hbm>>, %arg6: memref<32x36x128xf32, #tpu.memory_space<hbm>>, %arg7: memref<36x128xi32, #tpu.memory_space<vmem>>, %arg8: memref<36x128xf32, #tpu.memory_space<vmem>>, %arg9: memref<36x128xf32, #tpu.memory_space<vmem>>, %arg10: memref<!tpu.dma_semaphore, #tpu.memory_space<semaphore_mem>>, %arg11: memref<!tpu.dma_semaphore, #tpu.memory_space<semaphore_mem>>) attributes {dimension_semantics = [#tpu.dimension_semantics<core_parallel>, #tpu.dimension_semantics<subcore_parallel>], iteration_bounds = array<i64: 2, 16>, scalar_prefetch = 0 : i64, scratch_operands = 5 : i64, tpu.core_type = #tpu.core_type<sc_vector_subcore>, window_params = [{transform_indices = #map}, {transform_indices = #map}, {transform_indices = #map1}, {transform_indices = #map1}, {transform_indices = #map1}]} {
    %mul3A = arith.constant 2 : i32
    %mul3A_0 = arith.muli %arg1, %mul3A : i32
    %add3A = arith.addi %mul3A_0, %arg0 : i32
    "tpu.region"() ({
      %run_scoped3A = tpu.sem_alloc : memref<!tpu.dma_semaphore, #tpu.memory_space<semaphore_mem>>
      %dma_start3A = arith.constant 0 : i32
      %dma_start3A_21 = arith.constant 0 : i32
      %dma_start3A_22 = tpu.memref_slice %arg4[%add3A, %dma_start3A, %dma_start3A_21] : memref<32x36x128xi32, #tpu.memory_space<hbm>> -> memref<1x36x128xi32, #tpu.memory_space<hbm>>
      %dma_start3A_23 = tpu.memref_squeeze %dma_start3A_22 : memref<1x36x128xi32, #tpu.memory_space<hbm>> -> memref<36x128xi32, #tpu.memory_space<hbm>>
      %dma_start3A_24 = arith.constant 0 : i32
      %dma_start3A_25 = arith.constant 0 : i32
      %dma_start3A_26 = tpu.memref_slice %arg4[%add3A, %dma_start3A_24, %dma_start3A_25] : memref<32x36x128xi32, #tpu.memory_space<hbm>> -> memref<1x36x128xi32, #tpu.memory_space<hbm>>
      %dma_start3A_27 = tpu.memref_squeeze %dma_start3A_26 : memref<1x36x128xi32, #tpu.memory_space<hbm>> -> memref<36x128xi32, #tpu.memory_space<hbm>>
      tpu.enqueue_dma source(%dma_start3A_27 : memref<36x128xi32, #tpu.memory_space<hbm>>) target(%arg7 : memref<36x128xi32, #tpu.memory_space<vmem>>) target_semaphore(%run_scoped3A : memref<!tpu.dma_semaphore, #tpu.memory_space<semaphore_mem>>)
      %dma_wait3A_28 = arith.constant 0 : i32
      %dma_wait3A_29 = arith.constant 0 : i32
      %dma_wait3A_30 = tpu.memref_slice %arg4[%add3A, %dma_wait3A_28, %dma_wait3A_29] : memref<32x36x128xi32, #tpu.memory_space<hbm>> -> memref<1x36x128xi32, #tpu.memory_space<hbm>>
      %dma_wait3A_31 = tpu.memref_squeeze %dma_wait3A_30 : memref<1x36x128xi32, #tpu.memory_space<hbm>> -> memref<36x128xi32, #tpu.memory_space<hbm>>
      %dma_wait3A_32 = arith.constant 0 : i32
      %dma_wait3A_33 = arith.constant 0 : i32
      %dma_wait3A_34 = tpu.memref_slice %arg4[%add3A, %dma_wait3A_32, %dma_wait3A_33] : memref<32x36x128xi32, #tpu.memory_space<hbm>> -> memref<1x36x128xi32, #tpu.memory_space<hbm>>
      %dma_wait3A_35 = tpu.memref_squeeze %dma_wait3A_34 : memref<1x36x128xi32, #tpu.memory_space<hbm>> -> memref<36x128xi32, #tpu.memory_space<hbm>>
      tpu.wait_dma2 semaphore(%run_scoped3A : memref<!tpu.dma_semaphore, #tpu.memory_space<semaphore_mem>>) src(%dma_wait3A_35 : memref<36x128xi32, #tpu.memory_space<hbm>>) dst(%arg7 : memref<36x128xi32, #tpu.memory_space<vmem>>)
      tpu.yield
    }) : () -> ()
    %scan3A = arith.constant 0 : i32
    %scan3A_1 = arith.constant 0 : i32
    %scan3A_2 = arith.constant 36 : i32
    %scan3A_3 = arith.addi %scan3A_1, %scan3A_2 : i32
    %scan3A_4 = arith.constant 1 : i32
    scf.for %scan3A_21 = %scan3A_1 to %scan3A_3 step %scan3A_4  : i32 {
      %dma_start3A = arith.constant 0 : i32
      %dma_start3A_22 = tpu.memref_slice %arg8[%scan3A_21, %dma_start3A] : memref<36x128xf32, #tpu.memory_space<vmem>> -> memref<1x128xf32, #tpu.memory_space<vmem>>
      %dma_start3A_23 = tpu.memref_squeeze %dma_start3A_22 : memref<1x128xf32, #tpu.memory_space<vmem>> -> memref<128xf32, #tpu.memory_space<vmem>>
      %dma_start3A_24 = arith.constant 0 : i32
      %dma_start3A_25 = tpu.memref_slice %arg7[%scan3A_21, %dma_start3A_24] : memref<36x128xi32, #tpu.memory_space<vmem>> -> memref<1x128xi32, #tpu.memory_space<vmem>>
      %dma_start3A_26 = tpu.memref_squeeze %dma_start3A_25 : memref<1x128xi32, #tpu.memory_space<vmem>> -> memref<128xi32, #tpu.memory_space<vmem>>
      %dma_start3A_27 = arith.constant 0 : i32
      %dma_start3A_28 = tpu.memref_slice %arg2[%dma_start3A_27] : memref<12582912xf32, #tpu.memory_space<hbm>> -> memref<12582912xf32, #tpu.memory_space<hbm>>
      tpu.enqueue_indirect_dma source(%dma_start3A_28 : memref<12582912xf32, #tpu.memory_space<hbm>>) target(%dma_start3A_23 : memref<128xf32, #tpu.memory_space<vmem>>) offsets(%dma_start3A_26 : memref<128xi32, #tpu.memory_space<vmem>>) semaphore(%arg10 : memref<!tpu.dma_semaphore, #tpu.memory_space<semaphore_mem>>)
      %dma_start3A_29 = arith.constant 0 : i32
      %dma_start3A_30 = tpu.memref_slice %arg9[%scan3A_21, %dma_start3A_29] : memref<36x128xf32, #tpu.memory_space<vmem>> -> memref<1x128xf32, #tpu.memory_space<vmem>>
      %dma_start3A_31 = tpu.memref_squeeze %dma_start3A_30 : memref<1x128xf32, #tpu.memory_space<vmem>> -> memref<128xf32, #tpu.memory_space<vmem>>
      %dma_start3A_32 = arith.constant 0 : i32
      %dma_start3A_33 = tpu.memref_slice %arg7[%scan3A_21, %dma_start3A_32] : memref<36x128xi32, #tpu.memory_space<vmem>> -> memref<1x128xi32, #tpu.memory_space<vmem>>
      %dma_start3A_34 = tpu.memref_squeeze %dma_start3A_33 : memref<1x128xi32, #tpu.memory_space<vmem>> -> memref<128xi32, #tpu.memory_space<vmem>>
      %dma_start3A_35 = arith.constant 0 : i32
      %dma_start3A_36 = tpu.memref_slice %arg3[%dma_start3A_35] : memref<12582912xf32, #tpu.memory_space<hbm>> -> memref<12582912xf32, #tpu.memory_space<hbm>>
      tpu.enqueue_indirect_dma source(%dma_start3A_36 : memref<12582912xf32, #tpu.memory_space<hbm>>) target(%dma_start3A_31 : memref<128xf32, #tpu.memory_space<vmem>>) offsets(%dma_start3A_34 : memref<128xi32, #tpu.memory_space<vmem>>) semaphore(%arg11 : memref<!tpu.dma_semaphore, #tpu.memory_space<semaphore_mem>>)
    }
    %scan3A_5 = arith.constant 36 : i32
    %dma_wait3A = arith.constant 0 : i32
    %dma_wait3A_6 = arith.constant 0 : i32
    %dma_wait3A_7 = tpu.memref_slice %arg5[%add3A, %dma_wait3A, %dma_wait3A_6] : memref<32x36x128xf32, #tpu.memory_space<hbm>> -> memref<1x36x128xf32, #tpu.memory_space<hbm>>
    %dma_wait3A_8 = tpu.memref_squeeze %dma_wait3A_7 : memref<1x36x128xf32, #tpu.memory_space<hbm>> -> memref<36x128xf32, #tpu.memory_space<hbm>>
    %dma_wait3A_9 = arith.constant 0 : i32
    %dma_wait3A_10 = arith.constant 0 : i32
    %dma_wait3A_11 = tpu.memref_slice %arg5[%add3A, %dma_wait3A_9, %dma_wait3A_10] : memref<32x36x128xf32, #tpu.memory_space<hbm>> -> memref<1x36x128xf32, #tpu.memory_space<hbm>>
    %dma_wait3A_12 = tpu.memref_squeeze %dma_wait3A_11 : memref<1x36x128xf32, #tpu.memory_space<hbm>> -> memref<36x128xf32, #tpu.memory_space<hbm>>
    tpu.wait_dma2 semaphore(%arg10 : memref<!tpu.dma_semaphore, #tpu.memory_space<semaphore_mem>>) src(%dma_wait3A_12 : memref<36x128xf32, #tpu.memory_space<hbm>>) dst(%arg8 : memref<36x128xf32, #tpu.memory_space<vmem>>)
    %dma_wait3A_13 = arith.constant 0 : i32
    %dma_wait3A_14 = arith.constant 0 : i32
    %dma_wait3A_15 = tpu.memref_slice %arg6[%add3A, %dma_wait3A_13, %dma_wait3A_14] : memref<32x36x128xf32, #tpu.memory_space<hbm>> -> memref<1x36x128xf32, #tpu.memory_space<hbm>>
    %dma_wait3A_16 = tpu.memref_squeeze %dma_wait3A_15 : memref<1x36x128xf32, #tpu.memory_space<hbm>> -> memref<36x128xf32, #tpu.memory_space<hbm>>
    %dma_wait3A_17 = arith.constant 0 : i32
    %dma_wait3A_18 = arith.constant 0 : i32
    %dma_wait3A_19 = tpu.memref_slice %arg6[%add3A, %dma_wait3A_17, %dma_wait3A_18] : memref<32x36x128xf32, #tpu.memory_space<hbm>> -> memref<1x36x128xf32, #tpu.memory_space<hbm>>
    %dma_wait3A_20 = tpu.memref_squeeze %dma_wait3A_19 : memref<1x36x128xf32, #tpu.memory_space<hbm>> -> memref<36x128xf32, #tpu.memory_space<hbm>>
    tpu.wait_dma2 semaphore(%arg11 : memref<!tpu.dma_semaphore, #tpu.memory_space<semaphore_mem>>) src(%dma_wait3A_20 : memref<36x128xf32, #tpu.memory_space<hbm>>) dst(%arg9 : memref<36x128xf32, #tpu.memory_space<vmem>>)
    "tpu.region"() ({
      %run_scoped3A = tpu.sem_alloc : memref<!tpu.dma_semaphore, #tpu.memory_space<semaphore_mem>>
      %dma_start3A = arith.constant 0 : i32
      %dma_start3A_21 = arith.constant 0 : i32
      %dma_start3A_22 = tpu.memref_slice %arg5[%add3A, %dma_start3A, %dma_start3A_21] : memref<32x36x128xf32, #tpu.memory_space<hbm>> -> memref<1x36x128xf32, #tpu.memory_space<hbm>>
      %dma_start3A_23 = tpu.memref_squeeze %dma_start3A_22 : memref<1x36x128xf32, #tpu.memory_space<hbm>> -> memref<36x128xf32, #tpu.memory_space<hbm>>
      %dma_start3A_24 = arith.constant 0 : i32
      %dma_start3A_25 = arith.constant 0 : i32
      %dma_start3A_26 = tpu.memref_slice %arg5[%add3A, %dma_start3A_24, %dma_start3A_25] : memref<32x36x128xf32, #tpu.memory_space<hbm>> -> memref<1x36x128xf32, #tpu.memory_space<hbm>>
      %dma_start3A_27 = tpu.memref_squeeze %dma_start3A_26 : memref<1x36x128xf32, #tpu.memory_space<hbm>> -> memref<36x128xf32, #tpu.memory_space<hbm>>
      tpu.enqueue_dma source(%arg8 : memref<36x128xf32, #tpu.memory_space<vmem>>) target(%dma_start3A_27 : memref<36x128xf32, #tpu.memory_space<hbm>>) target_semaphore(%run_scoped3A : memref<!tpu.dma_semaphore, #tpu.memory_space<semaphore_mem>>)
      %dma_wait3A_28 = arith.constant 0 : i32
      %dma_wait3A_29 = arith.constant 0 : i32
      %dma_wait3A_30 = tpu.memref_slice %arg5[%add3A, %dma_wait3A_28, %dma_wait3A_29] : memref<32x36x128xf32, #tpu.memory_space<hbm>> -> memref<1x36x128xf32, #tpu.memory_space<hbm>>
      %dma_wait3A_31 = tpu.memref_squeeze %dma_wait3A_30 : memref<1x36x128xf32, #tpu.memory_space<hbm>> -> memref<36x128xf32, #tpu.memory_space<hbm>>
      %dma_wait3A_32 = arith.constant 0 : i32
      %dma_wait3A_33 = arith.constant 0 : i32
      %dma_wait3A_34 = tpu.memref_slice %arg5[%add3A, %dma_wait3A_32, %dma_wait3A_33] : memref<32x36x128xf32, #tpu.memory_space<hbm>> -> memref<1x36x128xf32, #tpu.memory_space<hbm>>
      %dma_wait3A_35 = tpu.memref_squeeze %dma_wait3A_34 : memref<1x36x128xf32, #tpu.memory_space<hbm>> -> memref<36x128xf32, #tpu.memory_space<hbm>>
      tpu.wait_dma2 semaphore(%run_scoped3A : memref<!tpu.dma_semaphore, #tpu.memory_space<semaphore_mem>>) src(%arg8 : memref<36x128xf32, #tpu.memory_space<vmem>>) dst(%dma_wait3A_35 : memref<36x128xf32, #tpu.memory_space<hbm>>)
      tpu.yield
    }) : () -> ()
    "tpu.region"() ({
      %run_scoped3A = tpu.sem_alloc : memref<!tpu.dma_semaphore, #tpu.memory_space<semaphore_mem>>
      %dma_start3A = arith.constant 0 : i32
      %dma_start3A_21 = arith.constant 0 : i32
      %dma_start3A_22 = tpu.memref_slice %arg6[%add3A, %dma_start3A, %dma_start3A_21] : memref<32x36x128xf32, #tpu.memory_space<hbm>> -> memref<1x36x128xf32, #tpu.memory_space<hbm>>
      %dma_start3A_23 = tpu.memref_squeeze %dma_start3A_22 : memref<1x36x128xf32, #tpu.memory_space<hbm>> -> memref<36x128xf32, #tpu.memory_space<hbm>>
      %dma_start3A_24 = arith.constant 0 : i32
      %dma_start3A_25 = arith.constant 0 : i32
      %dma_start3A_26 = tpu.memref_slice %arg6[%add3A, %dma_start3A_24, %dma_start3A_25] : memref<32x36x128xf32, #tpu.memory_space<hbm>> -> memref<1x36x128xf32, #tpu.memory_space<hbm>>
      %dma_start3A_27 = tpu.memref_squeeze %dma_start3A_26 : memref<1x36x128xf32, #tpu.memory_space<hbm>> -> memref<36x128xf32, #tpu.memory_space<hbm>>
      tpu.enqueue_dma source(%arg9 : memref<36x128xf32, #tpu.memory_space<vmem>>) target(%dma_start3A_27 : memref<36x128xf32, #tpu.memory_space<hbm>>) target_semaphore(%run_scoped3A : memref<!tpu.dma_semaphore, #tpu.memory_space<semaphore_mem>>)
      %dma_wait3A_28 = arith.constant 0 : i32
      %dma_wait3A_29 = arith.constant 0 : i32
      %dma_wait3A_30 = tpu.memref_slice %arg6[%add3A, %dma_wait3A_28, %dma_wait3A_29] : memref<32x36x128xf32, #tpu.memory_space<hbm>> -> memref<1x36x128xf32, #tpu.memory_space<hbm>>
      %dma_wait3A_31 = tpu.memref_squeeze %dma_wait3A_30 : memref<1x36x128xf32, #tpu.memory_space<hbm>> -> memref<36x128xf32, #tpu.memory_space<hbm>>
      %dma_wait3A_32 = arith.constant 0 : i32
      %dma_wait3A_33 = arith.constant 0 : i32
      %dma_wait3A_34 = tpu.memref_slice %arg6[%add3A, %dma_wait3A_32, %dma_wait3A_33] : memref<32x36x128xf32, #tpu.memory_space<hbm>> -> memref<1x36x128xf32, #tpu.memory_space<hbm>>
      %dma_wait3A_35 = tpu.memref_squeeze %dma_wait3A_34 : memref<1x36x128xf32, #tpu.memory_space<hbm>> -> memref<36x128xf32, #tpu.memory_space<hbm>>
      tpu.wait_dma2 semaphore(%run_scoped3A : memref<!tpu.dma_semaphore, #tpu.memory_space<semaphore_mem>>) src(%arg9 : memref<36x128xf32, #tpu.memory_space<vmem>>) dst(%dma_wait3A_35 : memref<36x128xf32, #tpu.memory_space<hbm>>)
      tpu.yield
    }) : () -> ()
    return
  }
}

module attributes {stable_mosaic.version = 14 : i64} {
  func.func @_vmask_kernel(%arg0: i32, %arg1: i32, %arg2: memref<1x192x8x128xf32, #tpu.memory_space<vmem>>, %arg3: memref<1x8x128xf32, #tpu.memory_space<vmem>>) attributes {dimension_semantics = [#tpu.dimension_semantics<arbitrary>, #tpu.dimension_semantics<arbitrary>], iteration_bounds = array<i64: 4, 16>, scalar_prefetch = 0 : i64, scratch_operands = 0 : i64, tpu.core_type = #tpu.core_type<tc>, window_params = [{transform_indices = @transform_0, window_bounds = array<i64: 1, 192, 8, 128>}, {transform_indices = @transform_1, window_bounds = array<i64: 1, 8, 128>}]} {
    %get3A = arith.constant 0 : index
    %get3A_0 = arith.constant 0 : index
    %get3A_1 = arith.constant 0 : index
    %get3A_2 = arith.constant 0 : index
    %get3A_3 = vector.load %arg2[%get3A, %get3A_0, %get3A_1, %get3A_2] : memref<1x192x8x128xf32, #tpu.memory_space<vmem>>, vector<1x192x8x128xf32>
    %reduce_sum3A = arith.constant dense<0.000000e+00> : vector<1x8x128xf32>
    %reduce_sum3A_4 = vector.multi_reduction <add>, %get3A_3, %reduce_sum3A [1] : vector<1x192x8x128xf32> to vector<1x8x128xf32>
    %swap3A = arith.constant 0 : index
    %swap3A_5 = arith.constant 0 : index
    %swap3A_6 = arith.constant 0 : index
    %swap3A_7 = vector.load %arg3[%swap3A, %swap3A_5, %swap3A_6] : memref<1x8x128xf32, #tpu.memory_space<vmem>>, vector<1x8x128xf32>
    tpu.vector_store %arg3[%swap3A, %swap3A_5, %swap3A_6], %reduce_sum3A_4 {strides = array<i32>} : memref<1x8x128xf32, #tpu.memory_space<vmem>>, vector<1x8x128xf32>,
    return
  }
  func.func @transform_0(%arg0: i32, %arg1: i32) -> (i32, i32, i32, i32) {
    %c0_i32 = arith.constant 0 : i32
    %c0_i32_0 = arith.constant 0 : i32
    %c0_i32_1 = arith.constant 0 : i32
    return %arg0, %c0_i32, %arg1, %c0_i32_0 : i32, i32, i32, i32
  }
  func.func @transform_1(%arg0: i32, %arg1: i32) -> (i32, i32, i32) {
    %c0_i32 = arith.constant 0 : i32
    %c0_i32_0 = arith.constant 0 : i32
    return %arg0, %arg1, %c0_i32 : i32, i32, i32
  }
}

module attributes {stable_mosaic.version = 14 : i64} {
  func.func @_cos_kernel(%arg0: memref<512x192xf32, #tpu.memory_space<vmem>>, %arg1: memref<256x192xf32, #tpu.memory_space<vmem>>, %arg2: memref<512x192xf32, #tpu.memory_space<vmem>>, %arg3: memref<256x192xf32, #tpu.memory_space<vmem>>, %arg4: memref<512x256xf32, #tpu.memory_space<vmem>>, %arg5: memref<512x256xf32, #tpu.memory_space<vmem>>) attributes {dimension_semantics = [], scalar_prefetch = 0 : i64, scratch_operands = 0 : i64, tpu.core_type = #tpu.core_type<tc>} {
    %get3A = arith.constant 0 : index
    %get3A_0 = arith.constant 0 : index
    %get3A_1 = vector.load %arg2[%get3A, %get3A_0] : memref<512x192xf32, #tpu.memory_space<vmem>>, vector<512x192xf32>
    %get3A_2 = arith.constant 0 : index
    %get3A_3 = arith.constant 0 : index
    %get3A_4 = vector.load %arg3[%get3A_2, %get3A_3] : memref<256x192xf32, #tpu.memory_space<vmem>>, vector<256x192xf32>
    %dot_general3A = arith.constant dense<0.000000e+00> : vector<512x256xf32>
    %dot_general3A_5 = tpu.matmul %get3A_1, %get3A_4, %dot_general3A {dimension_numbers = #tpu.dot_dimension_numbers<[1], [1], [0], [0], [0, 0, 1, 0], [], []>, precision = #tpu.contract_precision<fp32>, transpose_lhs_hint = false} : vector<512x192xf32>, vector<256x192xf32>, vector<512x256xf32> -> vector<512x256xf32>
    %mul3A = arith.mulf %get3A_1, %get3A_1 : vector<512x192xf32>
    %reduce_sum3A = arith.constant dense<0.000000e+00> : vector<512xf32>
    %reduce_sum3A_6 = vector.multi_reduction <add>, %mul3A, %reduce_sum3A [1] : vector<512x192xf32> to vector<512xf32>
    %broadcast_in_dim3A = vector.shape_cast %reduce_sum3A_6 : vector<512xf32> to vector<512x1xf32>
    %sqrt3A = math.sqrt %broadcast_in_dim3A : vector<512x1xf32>
    %mul3A_7 = arith.mulf %get3A_4, %get3A_4 : vector<256x192xf32>
    %reduce_sum3A_8 = arith.constant dense<0.000000e+00> : vector<256xf32>
    %reduce_sum3A_9 = vector.multi_reduction <add>, %mul3A_7, %reduce_sum3A_8 [1] : vector<256x192xf32> to vector<256xf32>
    %broadcast_in_dim3A_10 = vector.shape_cast %reduce_sum3A_9 : vector<256xf32> to vector<256x1xf32>
    %sqrt3A_11 = math.sqrt %broadcast_in_dim3A_10 : vector<256x1xf32>
    %transpose3A = tpu.transpose %sqrt3A_11, [1, 0] : vector<256x1xf32> -> vector<1x256xf32>
    %mul3A_12 = vector.broadcast %sqrt3A : vector<512x1xf32> to vector<512x256xf32>
    %mul3A_13 = vector.broadcast %transpose3A : vector<1x256xf32> to vector<512x256xf32>
    %mul3A_14 = arith.mulf %mul3A_12, %mul3A_13 : vector<512x256xf32>
    %max3A = arith.constant 9.99999993E-9 : f32
    %max3A_15 = vector.broadcast %max3A : f32 to vector<512x256xf32>
    %max3A_16 = arith.maximumf %mul3A_14, %max3A_15 : vector<512x256xf32>
    %div3A = arith.divf %dot_general3A_5, %max3A_16 : vector<512x256xf32>
    %swap3A = arith.constant 0 : index
    %swap3A_17 = arith.constant 0 : index
    %swap3A_18 = vector.load %arg4[%swap3A, %swap3A_17] : memref<512x256xf32, #tpu.memory_space<vmem>>, vector<512x256xf32>
    tpu.vector_store %arg4[%swap3A, %swap3A_17], %div3A {strides = array<i32>} : memref<512x256xf32, #tpu.memory_space<vmem>>, vector<512x256xf32>,
    %get3A_19 = arith.constant 0 : index
    %get3A_20 = arith.constant 0 : index
    %get3A_21 = vector.load %arg0[%get3A_19, %get3A_20] : memref<512x192xf32, #tpu.memory_space<vmem>>, vector<512x192xf32>
    %get3A_22 = arith.constant 0 : index
    %get3A_23 = arith.constant 0 : index
    %get3A_24 = vector.load %arg1[%get3A_22, %get3A_23] : memref<256x192xf32, #tpu.memory_space<vmem>>, vector<256x192xf32>
    %dot_general3A_25 = arith.constant dense<0.000000e+00> : vector<512x256xf32>
    %dot_general3A_26 = tpu.matmul %get3A_21, %get3A_24, %dot_general3A_25 {dimension_numbers = #tpu.dot_dimension_numbers<[1], [1], [0], [0], [0, 0, 1, 0], [], []>, precision = #tpu.contract_precision<fp32>, transpose_lhs_hint = false} : vector<512x192xf32>, vector<256x192xf32>, vector<512x256xf32> -> vector<512x256xf32>
    %mul3A_27 = arith.mulf %get3A_21, %get3A_21 : vector<512x192xf32>
    %reduce_sum3A_28 = arith.constant dense<0.000000e+00> : vector<512xf32>
    %reduce_sum3A_29 = vector.multi_reduction <add>, %mul3A_27, %reduce_sum3A_28 [1] : vector<512x192xf32> to vector<512xf32>
    %broadcast_in_dim3A_30 = vector.shape_cast %reduce_sum3A_29 : vector<512xf32> to vector<512x1xf32>
    %sqrt3A_31 = math.sqrt %broadcast_in_dim3A_30 : vector<512x1xf32>
    %mul3A_32 = arith.mulf %get3A_24, %get3A_24 : vector<256x192xf32>
    %reduce_sum3A_33 = arith.constant dense<0.000000e+00> : vector<256xf32>
    %reduce_sum3A_34 = vector.multi_reduction <add>, %mul3A_32, %reduce_sum3A_33 [1] : vector<256x192xf32> to vector<256xf32>
    %broadcast_in_dim3A_35 = vector.shape_cast %reduce_sum3A_34 : vector<256xf32> to vector<256x1xf32>
    %sqrt3A_36 = math.sqrt %broadcast_in_dim3A_35 : vector<256x1xf32>
    %transpose3A_37 = tpu.transpose %sqrt3A_36, [1, 0] : vector<256x1xf32> -> vector<1x256xf32>
    %mul3A_38 = vector.broadcast %sqrt3A_31 : vector<512x1xf32> to vector<512x256xf32>
    %mul3A_39 = vector.broadcast %transpose3A_37 : vector<1x256xf32> to vector<512x256xf32>
    %mul3A_40 = arith.mulf %mul3A_38, %mul3A_39 : vector<512x256xf32>
    %max3A_41 = arith.constant 9.99999993E-9 : f32
    %max3A_42 = vector.broadcast %max3A_41 : f32 to vector<512x256xf32>
    %max3A_43 = arith.maximumf %mul3A_40, %max3A_42 : vector<512x256xf32>
    %div3A_44 = arith.divf %dot_general3A_26, %max3A_43 : vector<512x256xf32>
    %swap3A_45 = arith.constant 0 : index
    %swap3A_46 = arith.constant 0 : index
    %swap3A_47 = vector.load %arg5[%swap3A_45, %swap3A_46] : memref<512x256xf32, #tpu.memory_space<vmem>>, vector<512x256xf32>
    tpu.vector_store %arg5[%swap3A_45, %swap3A_46], %div3A_44 {strides = array<i32>} : memref<512x256xf32, #tpu.memory_space<vmem>>, vector<512x256xf32>,
    return
  }
}

</mosaic_0001>

<sc_bundles>
// kernel: kernel.7.cloned.1.call-start
scs
__scs_entry_jumppad:
0x0: {  	(pc) =	sbr.rel $0x88, $3  }
0x1: {  	(tag) =	ssettag $0x0;
	lr =	simm.s32 $0x1  }
0x2: {  	[smem:$0x3F9E] =	sst lr;
	_ =	strace $0xD0000000  }
0x3: {  	_ = 	snop  }
0x4: {  	_ = 	snop  }
0x5: {  	_ = 	snop  }
0x6: {  	_ = 	snop  }
0x7: {  	_ = 	snop  }
__scs_overlays_trampoline_lowered:
0x8: {  	[smem:$0x3FAD] =	sst s0  }
0x9: {  	[smem:$0x3FAE] =	sst s1  }
0xa: {  	[smem:$0x3FAF] =	sst s2  }
0xb: {  	[smem:$0x3FB0] =	sst s3  }
0xc: {  	[smem:$0x3FB1] =	sst s4  }
0xd: {  	[smem:$0x3FB2] =	sst s5  }
0xe: {  	[smem:$0x3FB3] =	sst s6  }
0xf: {  	[smem:$0x3FB4] =	sst s7  }
0x10: {  	[smem:$0x3FB5] =	sst s8  }
0x11: {  	[smem:$0x3FB6] =	sst s9;
	s0 =	simm.s32 @!p0 $0x0  }
0x12: {  	s1 =	sld [smem:$0x3F9C];
	s0 =	simm.s32 @p0 $0x1  }
0x13: {  	[smem:$0x3FB7] =	sst s0;
	s0 =	simm.s32 @!p1 $0x0  }
0x14: {  	s2 =	sld [smem:$0x3F9B];
	s0 =	simm.s32 @p1 $0x1  }
0x15: {  	[smem:$0x3FB8] =	sst s0;
	s0 =	simm.s32 @!p2 $0x0  }
0x16: {  	s3 =	sld [smem:$0x3FDB];
	s0 =	simm.s32 @p2 $0x1  }
0x17: {  	s4 =	simm.s32 $0x1BF5;
	[smem:$0x3FBA] =	sst s0  }
0x18: {  	s0 =	sld [smem:$0x3F9D];
	_ =	swait.ge [sflag:s4], $0x0  }
0x19: {  	s7 =	sld [smem:$0x3F9E]  }
0x1a: {  	s8 =	sadd.s32 $0xFFFFE003, lr  }
0x1b: {  	s9 =	sadd.s32 $0xFFFFFEF7, lr;
	s5 =	simm.s32 $0xFFFFFFFF;
	p2 =	slt.u32 s8, $0xFFFFF086  }
0x1c: {  	p1 =	slt.u32 s9, $0xF7A;
	s5 =	simm.s32 @!p2 $0x0  }
0x1d: {  	s5 =	simm.s32 @p1 $0x1;
	p0 =	seq.s32 s7, s2  }
0x1e: {  	s7 =	smul.u32 @!p0 $0xF7A, s2;
	p2 =	seq.s32 @!p0 s5, $0x0  }
0x1f: {  	s9 =	smul.u32 $0xF7A, s1;
	s8 =	simm.s32 @!p0 $0x1BF5;
	p2 =	por !p2, p0  }
0x20: {  	[sflag:s8] =	ssyncset.s32 @!p0 $0xFFFFF086;
	s6 =	sadd.s32 @!p0 s3, s7;
	s7 =	simm.s32 @!p0 $0x108  }
0x21: {  	s3 =	sadd.s32 s3, s9;
	s6 =	sadd.s32 @!p0 $0x88, s6;
	s7 =	simm.s32 @p2 $0x1082  }
0x22: {  	[simem:s7], [sflag:s8] =	dma.local @!p0 [hbm:s6], $0xF7A  }
0x23: {  	s9 =	sor.u32 $0xD0000000, s2;
	s6 =	simm.s32 $0x108;
	_ =	swait.ge @!p0 [sflag:s8], $0x0  }
0x24: {  	s3 =	sadd.s32 $0x88, s3;
	s6 =	simm.s32 @!p1 $0x1082;
	[sflag:s4] =	ssyncset.s32 $0xFFFFF086  }
0x25: {  	[simem:s6], [sflag:s4] =	dma.local [hbm:s3], $0xF7A  }
0x26: {  	[smem:$0x3F9E] =	sst s1;
	(tag) =	ssettag s2;
	_ =	strace s9  }
0x27: {  	s1 =	sld [smem:$0x3FAE]  }
0x28: {  	s2 =	sld [smem:$0x3FAF]  }
0x29: {  	s4 =	sld [smem:$0x3FB1]  }
0x2a: {  	p0 =	seq.s32 s5, $0x0;
	s5 =	sld [smem:$0x3FB2]  }
0x2b: {  	s6 =	sld [smem:$0x3FB3]  }
0x2c: {  	s7 =	sld [smem:$0x3FB4]  }
0x2d: {  	s3 =	simm.s32 $0x108;
	s8 =	sld [smem:$0x3FB5]  }
0x2e: {  	s3 =	simm.s32 @!p0 $0x1082;
	s9 =	sld [smem:$0x3FB6]  }
0x2f: {  	lr =	sadd.s32 s0, s3;
	s0 =	sld [smem:$0x3FAD]  }
0x30: {  	s3 =	sld [smem:$0x3FB0]  }
0x31: {  	[smem:$0x3FB9] =	sst s10  }
0x32: {  	s10 =	sld [smem:$0x3FB7];
	_ =	sdelay $0x3  }
0x33: {  	p0 =	seq.s32 s10, $0x1;
	s10 =	sld [smem:$0x3FB9];
	_ =	sdelay $0x3  }
0x34: {  	[smem:$0x3FB9] =	sst s10  }
0x35: {  	s10 =	sld [smem:$0x3FB8];
	_ =	sdelay $0x3  }
0x36: {  	p1 =	seq.s32 s10, $0x1;
	s10 =	sld [smem:$0x3FB9];
	_ =	sdelay $0x3  }
0x37: {  	[smem:$0x3FB9] =	sst s10  }
0x38: {  	s10 =	sld [smem:$0x3FBA]  }
0x39: {  	_ = 	snop;
	(pc) =	sbr.ind lr, $3  }
0x3a: {  	_ = 	snop  }
0x3b: {  	_ = 	snop  }
0x3c: {  	p2 =	seq.s32 s10, $0x1;
	s10 =	sld [smem:$0x3FB9]  }
0x3d: {  	_ =	shalt  }
0x3e: {  	_ =	shalt  }
0x3f: {  	_ =	shalt  }
0x40: {  	_ =	shalt  }
0x41: {  	_ =	shalt  }
0x42: {  	_ =	shalt  }
0x43: {  	_ =	shalt  }
0x44: {  	_ =	shalt  }
0x45: {  	_ =	shalt  }
0x46: {  	_ =	shalt  }
0x47: {  	_ =	shalt  }
0x48: {  	_ =	shalt  }
0x49: {  	_ =	shalt  }
0x4a: {  	_ =	shalt  }
0x4b: {  	_ =	shalt  }
0x4c: {  	_ =	shalt  }
0x4d: {  	_ =	shalt  }
0x4e: {  	_ =	shalt  }
0x4f: {  	_ =	shalt  }
0x50: {  	_ =	shalt  }
0x51: {  	_ =	shalt  }
0x52: {  	_ =	shalt  }
0x53: {  	_ =	shalt  }
0x54: {  	_ =	shalt  }
0x55: {  	_ =	shalt  }
0x56: {  	_ =	shalt  }
0x57: {  	_ =	shalt  }
0x58: {  	_ =	shalt  }
0x59: {  	_ =	shalt  }
0x5a: {  	_ =	shalt  }
0x5b: {  	_ =	shalt  }
0x5c: {  	_ =	shalt  }
0x5d: {  	_ =	shalt  }
0x5e: {  	_ =	shalt  }
0x5f: {  	_ =	shalt  }
0x60: {  	_ =	shalt  }
0x61: {  	_ =	shalt  }
0x62: {  	_ =	shalt  }
0x63: {  	_ =	shalt  }
0x64: {  	_ =	shalt  }
0x65: {  	_ =	shalt  }
0x66: {  	_ =	shalt  }
0x67: {  	_ =	shalt  }
0x68: {  	_ =	shalt  }
0x69: {  	_ =	shalt  }
0x6a: {  	_ =	shalt  }
0x6b: {  	_ =	shalt  }
0x6c: {  	_ =	shalt  }
0x6d: {  	_ =	shalt  }
0x6e: {  	_ =	shalt  }
0x6f: {  	_ =	shalt  }
0x70: {  	_ =	shalt  }
0x71: {  	_ =	shalt  }
0x72: {  	_ =	shalt  }
0x73: {  	_ =	shalt  }
0x74: {  	_ =	shalt  }
0x75: {  	_ =	shalt  }
0x76: {  	_ =	shalt  }
0x77: {  	_ =	shalt  }
0x78: {  	_ =	shalt  }
0x79: {  	_ =	shalt  }
0x7a: {  	_ =	shalt  }
0x7b: {  	_ =	shalt  }
0x7c: {  	_ =	shalt  }
0x7d: {  	_ =	shalt  }
0x7e: {  	_ =	shalt  }
0x7f: {  	_ =	shalt  }
0x80: {  	_ =	shalt  }
0x81: {  	_ =	shalt  }
0x82: {  	_ =	shalt  }
0x83: {  	_ =	shalt  }
0x84: {  	_ =	shalt  }
0x85: {  	_ =	shalt  }
0x86: {  	_ =	shalt  }
0x87: {  	_ =	shalt  }
.Lfunc_end0:
.L_simem_size_0:
called_computation_lowered:
.L_overlay_start_0:
0x88: {  	s2 =	sld [smem:$0x3FD9]  }
0x89: {  	s3 =	sld [smem:$0x3FFE];
	_ =	sdelay $0x1  }
0x8a: {  	s1 =	srdreg.scid  }
0x8b: {  	s0 =	sand.u32 $0x1, s1  }
0x8c: {  	s17 =	sshll.u32 s0, $0xA;
	s2 =	sadd.s32 s3, s2  }
0x8d: {  	s2 =	sadd.s32 s2, s17  }
0x8e: {  	[smem:$0x3FC5] =	sst s2  }
0x8f: {  	_ = 	snop  }
0x90: {  	s2 =	sld [smem:$0x3FC9]  }
0x91: {  	s18 =	sld [smem:$0x3FC8];
	(tm) =	ssettm $0x1  }
0x92: {  	s4 =	sld [smem:$0x3FFB];
	_ =	sdelay $0x3  }
0x93: {  	_ =	strace s4  }
0x94: {  	s4 =	sld [smem:$0x3FFC];
	_ =	sdelay $0x3  }
0x95: {  	_ =	strace s4  }
0x96: {  	s4 =	sld [smem:$0x3FFD];
	_ =	sdelay $0x3  }
0x97: {  	_ =	strace s4  }
0x98: {  	_ =	strace $0x8FFFFFFF  }
0x99: {  	s19 =	sld [smem:$0x3FDB];
	_ =	sdelay $0x1  }
0x9a: {  	s5 =	simm.s32 $_scs_section_size  }
0x9b: {  	s6 =	simm.s32 $_size__tile_overlayer_lowered;
	s7 =	simm.s32 $_tile_overlayer_lowered  }
0x9c: {  	s22 =	simm.s32 $0x1BFF;
	s21 =	sshll.u32 s7, $0x1;
	s4 =	sadd.s32 s5, s19  }
0x9d: {  	s8 =	simm.s32 $0x0;
	s20 =	sshll.u32 s6, $0x1;
	s6 =	sadd.s32 s21, s4  }
0x9e: {  	[timem:s8], [sflag:s22] =	dma.local [hbm:s6], s20  }
0x9f: {  	_ =	swait.ge [sflag:s22], s20  }
0xa0: {  	s5 =	ssub.s32 $0x0, s20;
	[sflag:s22] =	ssyncset.done $0x0  }
0xa1: {  	[sflag:s22] =	ssyncadd.s32 s5;
	_ =	sdelay $0x1  }
0xa2: {  	s23 =	simm.s32 $0x1B8B  }
0xa3: {  	_ =	swait.ge [sflag:s23], $0x1  }
0xa4: {  	[sflag:s23] =	ssyncset.done $0x0  }
0xa5: {  	s25 =	simm.s32 $0x1B8E;
	s24 =	sld [smem:$0x3FFE];
	[sflag:s23] =	ssyncadd.s32 $0xFFFFFFFF  }
0xa6: {  	s26 =	simm.s32 $execute0_lowered;
	[smem:$0x3FD2] =	sst s25  }
0xa7: {  	s6 =	sshll.u32 s26, $0x1;
	_ =	strace $0x80000046;
	[dreg:$0x1] =	wrdreg $0xFFFFFFFF  }
0xa8: {  	s28 =	simm.s32 $_size_execute0_lowered;
	s4 =	sadd.s32 s4, s6;
	[dreg:$0x0] =	wrdreg $0x0  }
0xa9: {  	s6 =	sshll.u32 s28, $0x1;
	[dreg:$0x2] =	wrdreg s4  }
0xaa: {  	[dreg:$0x3] =	wrdreg s6  }
0xab: {  	[dreg:$0x4] =	wrdreg $0xC0  }
0xac: {  	_ =	task [dreg:s8], $0x5FFFF  }
0xad: {  	[dreg:$0x1] =	wrdreg $0xFFFFFFFF  }
0xae: {  	[dreg:$0x0] =	wrdreg $0x60  }
0xaf: {  	[dreg:$0x2] =	wrdreg s18  }
0xb0: {  	[dreg:$0x3] =	wrdreg s2  }
0xb1: {  	[dreg:$0x4] =	wrdreg s24  }
0xb2: {  	[dreg:$0x5] =	wrdreg $0x9  }
0xb3: {  	_ =	task.clear_ibuf [dreg:s8], $0x6FFFF;
	_ =	strace $0x90000046  }
0xb4: {  	s29 =	simm.s32 $0x9;
	_ =	strace $0x80000048  }
0xb5: {  	_ =	swait.ge [sflag:s29], $0x1  }
0xb6: {  	[sflag:s29] =	ssyncadd.s32 $0xFFFFFFFF  }
0xb7: {  	_ =	strace $0x90000048  }
0xb8: {  	_ =	sfence  }
0xb9: {  	s30 =	sld [smem:$0x0];
	_ =	sdelay $0x2  }
0xba: {  	s31 =	sshll.u32 s1, $0xD;
	s1 =	sshrl.u32 s1, $0x2  }
0xbb: {  	s3 =	sand.u32 $0x4000, s31;
	s1 =	sadd.s32 s1, s30  }
0xbc: {  	s0 =	sor.u32 s3, s0;
	s1 =	sshll.u32 s1, $0x11  }
0xbd: {  	s0 =	sor.u32 s1, s0  }
0xbe: {  	s0 =	sadd.s32 $0x8F2B, s0  }
0xbf: {  	[sflag:s0] =	ssyncadd.remote.s32 $0x1  }
0xc0: {  	_ =	sfence.sel $0xFFFF  }
0xc1: {  	[dreg:$0x0] =	wrdreg $0xFFFFFFFF;
	(pc) =	sbr.abs _section_cstart, $3  }
0xc2: {  	[dreg:$0x1] =	wrdreg $0xFFFFFFFF  }
0xc3: {  	_ =	task.clear_ibuf [dreg:s8], $0x2FFFF;
	_ =	strace $0x9FFFFFFF  }
0xc4: {  	(tm) =	ssettm $0x7FFFFFFF  }
0xc5: {  	_ =	shalt  }
tec
execute0_lowered:
.L_overlay_start_1:
0x0: {  	(tag) =	ssettag $0x1  }
0x1: {  	s1 =	rddreg [dreg:$0x0]  }
0x2: {  	s2 =	srdreg.scid;
	s3 =	rddreg [dreg:$0x1]  }
0x3: {  	s0 =	stileid.u32;
	s6 =	rddreg [dreg:$0x2];
	s4 =	simm.s32 $0x0  }
0x4: {  	s10 =	simm.s32 $0x80;
	s11 =	simm.s32 $0x1;
	s12 =	simm.s32 $0x2  }
0x5: {  	s13 =	simm.s32 $0x1400;
	s5 =	sand.u32 $0x1, s2;
	s31 =	sshll.u32 s0, $0x1  }
0x6: {  	s14 =	simm.s32 $0x2800;
	s15 =	simm.s32 $0x0;
	s2 =	sor.u32 s5, s31  }
0x7: {  	[smem:$0x7FF] =	sst s4;
	s8 =	ssub.s32 $0x2, s5;
	s7 =	smul.u32 $0x280, s2  }
0x8: {  	s2 =	rddreg [dreg:$0x3];
	s9 =	sshrl.u32 s8, $0x1;
	_ =	strace $0x80000047  }
0x9: {  	s8 =	ssub.s32 s8, s9;
	s9 =	simm.s32 $0x3;
	s5 =	sadd.s32 s6, s7  }
0xa: {  	s8 =	smax.u32 s8, $0x1;
	s6 =	sadd.s32 $0x5000, s5;
	s7 =	sadd.s32 $0xA000, s5  }
.LBB2_1:
0xb: {  	[tilespmem:s4], [sflag:$0x3] =	stream.linear.gather [hbm4b:s5+s4], $0x1200, $0x38;
	[tilespmem:$0x3C00] =	vst v63  }
0xc: {  	_ =	swait.ge [sflag:s9], $0x1200  }
0xd: {  	[sflag:s9] =	ssyncset.done $0x0  }
0xe: {  	s17 =	simm.s32 $0x0;
	s16 =	simm.s32 $0x1400;
	[sflag:s9] =	ssyncadd.s32 $0xFFFFEE00  }
0xf: {  	[tilespmem:s16], [sflag:$0x1] =	stream.indirect.gather [hbm4b:s1+s10], $0x1, s17, s10, $0xb8;
	[tilespmem:$0x3C00] =	vst v63  }
0x10: {  	s18 =	simm.s32 $0x2800;
	s16 =	simm.s32 $0x200  }
.LBB2_2:
0x11: {  	[tilespmem:s18], [sflag:$0x2] =	stream.indirect.gather [hbm4b:s3+s10], $0x1, s17, s10, $0xb8;
	[tilespmem:$0x3C00] =	vst v63  }
0x12: {  	s17 =	smov.u32 s16;
	p0 =	sne.s32 s16, $0x4600  }
.Ltmp0:
0x13: {  	s16 =	sadd.s32 $0x200, s16;
	(pc) =	sbr.rel @p0 .LBB2_2-.Ltmp0, $4  }
0x14: {  	s17 =	sshra.s32 s17, $0x2  }
0x15: {  	s18 =	sadd.s32 $0x1400, s17  }
0x16: {  	[tilespmem:s18], [sflag:$0x1] =	stream.indirect.gather [hbm4b:s1+s10], $0x1, s17, s10, $0xb8;
	[tilespmem:$0x3C00] =	vst v63  }
0x17: {  	s18 =	sadd.s32 $0x2800, s17  }
0x18: {  	[tilespmem:s18], [sflag:$0x2] =	stream.indirect.gather [hbm4b:s3+s10], $0x1, s17, s10, $0xb8;
	[tilespmem:$0x3C00] =	vst v63  }
0x19: {  	_ =	swait.ge [sflag:s11], $0x1200  }
0x1a: {  	[sflag:s11] =	ssyncset.done $0x0  }
0x1b: {  	[sflag:s11] =	ssyncadd.s32 $0xFFFFEE00  }
0x1c: {  	_ =	swait.ge [sflag:s12], $0x1200  }
0x1d: {  	[sflag:s12] =	ssyncset.done $0x0  }
0x1e: {  	[sflag:s12] =	ssyncadd.s32 $0xFFFFEE00  }
0x1f: {  	[hbm4b:s6+s4] =	stream.linear.scatter [tilespmem:s13], [sflag:$0x3], $0x1200, $0x38;
	[tilespmem:$0x3C00] =	vst v63  }
0x20: {  	s15 =	sadd.s32 $0x1, s15;
	_ =	swait.ge [sflag:s9], $0x1200  }
0x21: {  	p0 =	sne.s32 s15, s8;
	[sflag:s9] =	ssyncset.done $0x0  }
.Ltmp1:
0x22: {  	[sflag:s9] =	ssyncadd.s32 $0xFFFFEE00;
	(pc) =	sbr.rel @p0 .LBB2_1-.Ltmp1, $4  }
0x23: {  	[hbm4b:s7+s4] =	stream.linear.scatter [tilespmem:s14], [sflag:$0x3], $0x1200, $0x38;
	[tilespmem:$0x3C00] =	vst v63  }
0x24: {  	_ =	swait.ge [sflag:s9], $0x1200  }
0x25: {  	[sflag:s9] =	ssyncset.done $0x0  }
0x26: {  	[sflag:s9] =	ssyncadd.s32 $0xFFFFEE00  }
0x27: {  	_ =	sfence.sel $0x180000  }
0x28: {  	[bflag:$0x0] =	sbarrier.arrive $0xFFFF  }
0x29: {  	p0 =	sne.s32 s0, $0x0;
	_ =	strace $0x90000047  }
0x2a: {  	s0 =	sadd.s32 @!p0 $0x100000, s2;
	[bflag:$0x2] =	sbarrier.arrive $0xFFFF  }
0x2b: {  	[sflag:s0] =	ssyncadd.tile.s32 @!p0 $0x1;
	_ =	shalt  }
.Lfunc_end2:
_tile_overlayer_lowered:
.L_overlay_start_2:
0x2c: {  	(tag) =	ssettag $0x2  }
0x2d: {  	s0 =	rddreg [dreg:$0x0];
	s2 =	stileid.u32  }
0x2e: {  	s1 =	rddreg [dreg:$0x1];
	p0 =	sne.s32 s2, $0x0  }
0x2f: {  	s3 =	rddreg [dreg:$0x2];
	[bflag:$0x3] =	sbarrier.arrive $0xFFFF;
	s2 =	simm.s32 @!p0 $0x1C03  }
0x30: {  	[timem:s3], [sflag:s2] =	dma.local @!p0 [hbm:s0], s1  }
0x31: {  	s0 =	simm.s32 @!p0 $0x3  }
0x32: {  	_ =	swait.ge @!p0 [sflag:s0], s1  }
0x33: {  	s1 =	ssub.s32 @!p0 $0x0, s1;
	[sflag:s0] =	ssyncset.done @!p0 $0x0  }
0x34: {  	[sflag:s0] =	ssyncadd.s32 @!p0 s1  }
0x35: {  	[bflag:$0x3] =	sbarrier.arrive $0xFFFF  }
0x36: {  	_ =	shalt  }

</sc_bundles>
